<compile_context>
chip_gen: v7x
topology: tpu7x:2x2x1
jax: 0.10.2.dev20260603
libtpu: 0.0.44.dev20260713+nightly
codegen_flags: <defaults>
</compile_context>

<pallas_src>
import jax
import jax.numpy as jnp
from jax import lax
from jax.experimental import pallas as pl
from jax.experimental.pallas import tpu as pltpu
from jax.experimental.pallas import tpu_sc as plsc

NODE_DIM = 128
EDGE_DIM = 128
N_RADIAL = 16
MAX_Z = 100
ZPAD = 128
N_NODES = 10000
N_EDGES = 320000

_NC = 2
_NS = 16
_NW = _NC * _NS
_E_PER_W = N_EDGES // _NW
_L = 16

_BLK = 512
_GRID = N_EDGES // _BLK


def _sc_gather_body(x_hbm, ij_hbm, ii_hbm, zj_hbm, zi_hbm,
                    xv, ijv, iiv, zjv, ziv):
    wid = lax.axis_index("s") * _NC + lax.axis_index("c")
    base = wid * _E_PER_W
    pltpu.sync_copy(x_hbm, xv)
    pltpu.sync_copy(ij_hbm.at[pl.ds(base, _E_PER_W)], ijv)
    pltpu.sync_copy(ii_hbm.at[pl.ds(base, _E_PER_W)], iiv)

    def body(t, carry):
        o = t * _L
        zjv[pl.ds(o, _L)] = plsc.load_gather(xv, [ijv[pl.ds(o, _L)]])
        ziv[pl.ds(o, _L)] = plsc.load_gather(xv, [iiv[pl.ds(o, _L)]])
        return carry

    lax.fori_loop(0, _E_PER_W // _L, body, 0)
    pltpu.sync_copy(zjv, zj_hbm.at[pl.ds(base, _E_PER_W)])
    pltpu.sync_copy(ziv, zi_hbm.at[pl.ds(base, _E_PER_W)])


def _sc_gather(x, idx_j, idx_i):
    mesh = plsc.VectorSubcoreMesh(core_axis_name="c", subcore_axis_name="s")
    out_t = (jax.ShapeDtypeStruct((N_EDGES,), jnp.int32),
             jax.ShapeDtypeStruct((N_EDGES,), jnp.int32))
    f = pl.kernel(
        _sc_gather_body,
        out_type=out_t,
        mesh=mesh,
        compiler_params=pltpu.CompilerParams(needs_layout_passes=False),
        scratch_types=[
            pltpu.VMEM((N_NODES,), jnp.int32),
            pltpu.VMEM((_E_PER_W,), jnp.int32),
            pltpu.VMEM((_E_PER_W,), jnp.int32),
            pltpu.VMEM((_E_PER_W,), jnp.int32),
            pltpu.VMEM((_E_PER_W,), jnp.int32),
        ],
    )
    return f(x, idx_j, idx_i)


def _tc_body(zj_ref, zi_ref, rbf_ref, embp_ref, we_ref, wrbf_ref, b_ref,
             out_ref, thi_ref, tlo_ref, wr_ref):
    @pl.when(pl.program_id(0) == 0)
    def _():
        t1 = jnp.transpose(jnp.dot(embp_ref[...], we_ref[0:NODE_DIM, :],
                                   preferred_element_type=jnp.float32))
        t2 = jnp.transpose(jnp.dot(embp_ref[...],
                                   we_ref[NODE_DIM:2 * NODE_DIM, :],
                                   preferred_element_type=jnp.float32))
        h1 = t1.astype(jnp.bfloat16)
        h2 = t2.astype(jnp.bfloat16)
        thi_ref[:, 0:ZPAD] = h1
        thi_ref[:, ZPAD:] = h2
        tlo_ref[:, 0:ZPAD] = (t1 - h1.astype(jnp.float32)).astype(jnp.bfloat16)
        tlo_ref[:, ZPAD:] = (t2 - h2.astype(jnp.float32)).astype(jnp.bfloat16)
        wr_ref[...] = jnp.dot(wrbf_ref[...], we_ref[2 * NODE_DIM:, :],
                              preferred_element_type=jnp.float32)

    zjb = jnp.reshape(zj_ref[...], (1, _BLK)).astype(jnp.bfloat16)
    zib = jnp.reshape(zi_ref[...], (1, _BLK)).astype(jnp.bfloat16)
    ki = lax.broadcasted_iota(jnp.int32, (ZPAD, 1), 0).astype(jnp.bfloat16)
    o = jnp.concatenate([ki == zjb, ki == zib], axis=0).astype(jnp.bfloat16)
    acc = jnp.dot(thi_ref[...], o, preferred_element_type=jnp.float32)
    acc = acc + jnp.dot(tlo_ref[...], o, preferred_element_type=jnp.float32)
    s = jnp.transpose(acc)
    s = s + jnp.dot(rbf_ref[...], wr_ref[...],
                    preferred_element_type=jnp.float32)
    s = s + b_ref[...]
    out_ref[...] = s * (1.0 / (1.0 + jnp.exp(-s)))


def _tc_dense(zj3, zi3, rbf, embp, w_edge, wrbf, b2):
    return pl.pallas_call(
        _tc_body,
        grid=(_GRID,),
        in_specs=[
            pl.BlockSpec((1, 1, _BLK), lambda i: (i, 0, 0)),
            pl.BlockSpec((1, 1, _BLK), lambda i: (i, 0, 0)),
            pl.BlockSpec((_BLK, N_RADIAL), lambda i: (i, 0)),
            pl.BlockSpec((ZPAD, NODE_DIM), lambda i: (0, 0)),
            pl.BlockSpec((2 * NODE_DIM + EDGE_DIM, EDGE_DIM),
                         lambda i: (0, 0)),
            pl.BlockSpec((N_RADIAL, EDGE_DIM), lambda i: (0, 0)),
            pl.BlockSpec((1, EDGE_DIM), lambda i: (0, 0)),
        ],
        out_specs=pl.BlockSpec((_BLK, EDGE_DIM), lambda i: (i, 0)),
        out_shape=jax.ShapeDtypeStruct((N_EDGES, EDGE_DIM), jnp.float32),
        scratch_shapes=[
            pltpu.VMEM((NODE_DIM, 2 * ZPAD), jnp.bfloat16),
            pltpu.VMEM((NODE_DIM, 2 * ZPAD), jnp.bfloat16),
            pltpu.VMEM((N_RADIAL, EDGE_DIM), jnp.float32),
        ],
    )(zj3, zi3, rbf, embp, w_edge, wrbf, b2)


def kernel(x, rbf, idx_i, idx_j, emb, W_rbf, W_edge, b_edge):
    zj, zi = _sc_gather(x, idx_j, idx_i)
    embp = jnp.pad(emb, ((0, ZPAD - MAX_Z), (0, 0)))
    return _tc_dense(zj.reshape(_GRID, 1, _BLK), zi.reshape(_GRID, 1, _BLK),
                     rbf, embp, W_edge, W_rbf, b_edge.reshape(1, EDGE_DIM))

# --- scband reference (transcript-rebuilt; emitter-appended) ---
"""Pipeline reference for scband-edge-embed-38044820308157 (READ-ONLY COPY).

The authoritative reference and input builder live on the scoring server;
editing this copy changes nothing except your own understanding.
"""

import jax, jax.numpy as jnp
import numpy as np
import math

NODE_DIM = 128
EDGE_DIM = 128
N_RADIAL = 16
MAX_Z = 100
N_NODES = 10000
N_EDGES = 320000


def setup_inputs(seed: int = 0) -> dict:
    key = jax.random.key(seed)
    k_x, k_rbf, k_i, k_j, k_emb, k_wr, k_we, k_be = jax.random.split(key, 8)
    x = jax.random.randint(k_x, (N_NODES,), 0, MAX_Z, dtype=jnp.int64) if jax.config.jax_enable_x64 else jax.random.randint(k_x, (N_NODES,), 0, MAX_Z, dtype=jnp.int32)
    rbf = jax.random.normal(k_rbf, (N_EDGES, N_RADIAL), dtype=jnp.float32)
    idx_i = jax.random.randint(k_i, (N_EDGES,), 0, N_NODES, dtype=jnp.int32)
    idx_j = jax.random.randint(k_j, (N_EDGES,), 0, N_NODES, dtype=jnp.int32)
    # Embedding table init: uniform(-sqrt(3), sqrt(3)) per AtomicNum2NodeEmbed.reset_parameters
    emb = jax.random.uniform(k_emb, (MAX_Z, NODE_DIM), dtype=jnp.float32, minval=-math.sqrt(3.0), maxval=math.sqrt(3.0))
    # rbf_lin: Dense(n_radial -> edge_dim, bias=False)
    lim_r = 1.0 / math.sqrt(N_RADIAL)
    W_rbf = jax.random.uniform(k_wr, (N_RADIAL, EDGE_DIM), dtype=jnp.float32, minval=-lim_r, maxval=lim_r)
    # edge_embed dense: (2*node_dim + edge_dim) -> edge_dim, bias=True
    fan_in = 2 * NODE_DIM + EDGE_DIM
    lim_e = 1.0 / math.sqrt(fan_in)
    W_edge = jax.random.uniform(k_we, (fan_in, EDGE_DIM), dtype=jnp.float32, minval=-lim_e, maxval=lim_e)
    b_edge = jax.random.uniform(k_be, (EDGE_DIM,), dtype=jnp.float32, minval=-lim_e, maxval=lim_e)
    return {"x": x, "rbf": rbf, "idx_i": idx_i, "idx_j": idx_j, "emb": emb, "W_rbf": W_rbf, "W_edge": W_edge, "b_edge": b_edge}


def reference(x, rbf, idx_i, idx_j, emb, W_rbf, W_edge, b_edge):
    # node_embed: gather atomic-number embeddings
    h = jnp.take(emb, x, axis=0)                      # [N, node_dim]
    # rbf_lin: linear, no bias
    r = rbf @ W_rbf                                   # [E, edge_dim]
    # gather endpoints and concat: [h[idx_j], h[idx_i], rbf_proj]
    cat = jnp.concatenate([jnp.take(h, idx_j, axis=0), jnp.take(h, idx_i, axis=0), r], axis=-1)  # [E, 2*node_dim+edge_dim]
    out = cat @ W_edge + b_edge                       # [E, edge_dim]
    # activation 'swish' applied twice in torch (Dense activation + Sequential act); silu is idempotent-free, apply as Sequential act only once matches Dense(activation_name) used for init scaling, the extra act module applies once
    return jax.nn.silu(out)


if False:  # reference __main__ guard neutralized (emitter)
    inp = setup_inputs()
    out = reference(**inp)
    print(out.shape, out.dtype)

if __name__ == "__main__":
    import jax
    _d = setup_inputs()
    print(jax.jit(kernel)(*tuple(_d.values())))

</pallas_src>

<mosaic_0001>
#map = affine_map<(d0, d1) -> (0)>
module attributes {stable_mosaic.version = 14 : i64} {
  func.func @_sc_gather_body(%arg0: i32, %arg1: i32, %arg2: memref<10000xi32, #tpu.memory_space<hbm>>, %arg3: memref<320000xi32, #tpu.memory_space<hbm>>, %arg4: memref<320000xi32, #tpu.memory_space<hbm>>, %arg5: memref<320000xi32, #tpu.memory_space<hbm>>, %arg6: memref<320000xi32, #tpu.memory_space<hbm>>, %arg7: memref<10000xi32, #tpu.memory_space<vmem>>, %arg8: memref<10000xi32, #tpu.memory_space<vmem>>, %arg9: memref<10000xi32, #tpu.memory_space<vmem>>, %arg10: memref<10000xi32, #tpu.memory_space<vmem>>, %arg11: memref<10000xi32, #tpu.memory_space<vmem>>) attributes {dimension_semantics = [#tpu.dimension_semantics<core_parallel>, #tpu.dimension_semantics<subcore_parallel>], iteration_bounds = array<i64: 2, 16>, scalar_prefetch = 0 : i64, scratch_operands = 5 : i64, tpu.core_type = #tpu.core_type<sc_vector_subcore>, window_params = [{transform_indices = #map}, {transform_indices = #map}, {transform_indices = #map}, {transform_indices = #map}, {transform_indices = #map}]} {
    %mul3A = arith.constant 2 : i32
    %mul3A_0 = arith.muli %arg1, %mul3A : i32
    %add3A = arith.addi %mul3A_0, %arg0 : i32
    %mul3A_1 = arith.constant 10000 : i32
    %mul3A_2 = arith.muli %add3A, %mul3A_1 : i32
    "tpu.region"() ({
      %run_scoped3A = tpu.sem_alloc : memref<!tpu.dma_semaphore, #tpu.memory_space<semaphore_mem>>
      tpu.enqueue_dma source(%arg2 : memref<10000xi32, #tpu.memory_space<hbm>>) target(%arg7 : memref<10000xi32, #tpu.memory_space<vmem>>) target_semaphore(%run_scoped3A : memref<!tpu.dma_semaphore, #tpu.memory_space<semaphore_mem>>)
      tpu.wait_dma2 semaphore(%run_scoped3A : memref<!tpu.dma_semaphore, #tpu.memory_space<semaphore_mem>>) src(%arg2 : memref<10000xi32, #tpu.memory_space<hbm>>) dst(%arg7 : memref<10000xi32, #tpu.memory_space<vmem>>)
      tpu.yield
    }) : () -> ()
    "tpu.region"() ({
      %run_scoped3A = tpu.sem_alloc : memref<!tpu.dma_semaphore, #tpu.memory_space<semaphore_mem>>
      %dma_start3A = tpu.memref_slice %arg3[%mul3A_2] : memref<320000xi32, #tpu.memory_space<hbm>> -> memref<10000xi32, #tpu.memory_space<hbm>>
      %dma_start3A_8 = tpu.memref_slice %arg3[%mul3A_2] : memref<320000xi32, #tpu.memory_space<hbm>> -> memref<10000xi32, #tpu.memory_space<hbm>>
      tpu.enqueue_dma source(%dma_start3A_8 : memref<10000xi32, #tpu.memory_space<hbm>>) target(%arg8 : memref<10000xi32, #tpu.memory_space<vmem>>) target_semaphore(%run_scoped3A : memref<!tpu.dma_semaphore, #tpu.memory_space<semaphore_mem>>)
      %dma_wait3A = tpu.memref_slice %arg3[%mul3A_2] : memref<320000xi32, #tpu.memory_space<hbm>> -> memref<10000xi32, #tpu.memory_space<hbm>>
      %dma_wait3A_9 = tpu.memref_slice %arg3[%mul3A_2] : memref<320000xi32, #tpu.memory_space<hbm>> -> memref<10000xi32, #tpu.memory_space<hbm>>
      tpu.wait_dma2 semaphore(%run_scoped3A : memref<!tpu.dma_semaphore, #tpu.memory_space<semaphore_mem>>) src(%dma_wait3A_9 : memref<10000xi32, #tpu.memory_space<hbm>>) dst(%arg8 : memref<10000xi32, #tpu.memory_space<vmem>>)
      tpu.yield
    }) : () -> ()
    "tpu.region"() ({
      %run_scoped3A = tpu.sem_alloc : memref<!tpu.dma_semaphore, #tpu.memory_space<semaphore_mem>>
      %dma_start3A = tpu.memref_slice %arg4[%mul3A_2] : memref<320000xi32, #tpu.memory_space<hbm>> -> memref<10000xi32, #tpu.memory_space<hbm>>
      %dma_start3A_8 = tpu.memref_slice %arg4[%mul3A_2] : memref<320000xi32, #tpu.memory_space<hbm>> -> memref<10000xi32, #tpu.memory_space<hbm>>
      tpu.enqueue_dma source(%dma_start3A_8 : memref<10000xi32, #tpu.memory_space<hbm>>) target(%arg9 : memref<10000xi32, #tpu.memory_space<vmem>>) target_semaphore(%run_scoped3A : memref<!tpu.dma_semaphore, #tpu.memory_space<semaphore_mem>>)
      %dma_wait3A = tpu.memref_slice %arg4[%mul3A_2] : memref<320000xi32, #tpu.memory_space<hbm>> -> memref<10000xi32, #tpu.memory_space<hbm>>
      %dma_wait3A_9 = tpu.memref_slice %arg4[%mul3A_2] : memref<320000xi32, #tpu.memory_space<hbm>> -> memref<10000xi32, #tpu.memory_space<hbm>>
      tpu.wait_dma2 semaphore(%run_scoped3A : memref<!tpu.dma_semaphore, #tpu.memory_space<semaphore_mem>>) src(%dma_wait3A_9 : memref<10000xi32, #tpu.memory_space<hbm>>) dst(%arg9 : memref<10000xi32, #tpu.memory_space<vmem>>)
      tpu.yield
    }) : () -> ()
    %scan3A = arith.constant 0 : i32
    %scan3A_3 = arith.constant 0 : i32
    %scan3A_4 = arith.constant 625 : i32
    %scan3A_5 = arith.addi %scan3A_3, %scan3A_4 : i32
    %scan3A_6 = arith.constant 1 : i32
    scf.for %scan3A_8 = %scan3A_3 to %scan3A_5 step %scan3A_6  : i32 {
      %mul3A_9 = arith.constant 16 : i32
      %mul3A_10 = arith.muli %scan3A_8, %mul3A_9 : i32
      %get3A = arith.index_cast %mul3A_10 : i32 to index
      %get3A_11 = tpu.vector_load %arg8[%get3A] {strides = array<i32>} : memref<10000xi32, #tpu.memory_space<vmem>>, vector<16xi32>,
      %gather3A = tpu.vector_load_idx %arg7[%get3A_11] : memref<10000xi32, #tpu.memory_space<vmem>>[vector<16xi32>], vector<16xi32>,
      %swap3A = arith.index_cast %mul3A_10 : i32 to index
      %swap3A_12 = tpu.vector_load %arg10[%swap3A] {strides = array<i32>} : memref<10000xi32, #tpu.memory_space<vmem>>, vector<16xi32>,
      tpu.vector_store %arg10[%swap3A], %gather3A {strides = array<i32>} : memref<10000xi32, #tpu.memory_space<vmem>>, vector<16xi32>,
      %get3A_13 = arith.index_cast %mul3A_10 : i32 to index
      %get3A_14 = tpu.vector_load %arg9[%get3A_13] {strides = array<i32>} : memref<10000xi32, #tpu.memory_space<vmem>>, vector<16xi32>,
      %gather3A_15 = tpu.vector_load_idx %arg7[%get3A_14] : memref<10000xi32, #tpu.memory_space<vmem>>[vector<16xi32>], vector<16xi32>,
      %swap3A_16 = arith.index_cast %mul3A_10 : i32 to index
      %swap3A_17 = tpu.vector_load %arg11[%swap3A_16] {strides = array<i32>} : memref<10000xi32, #tpu.memory_space<vmem>>, vector<16xi32>,
      tpu.vector_store %arg11[%swap3A_16], %gather3A_15 {strides = array<i32>} : memref<10000xi32, #tpu.memory_space<vmem>>, vector<16xi32>,
    }
    %scan3A_7 = arith.constant 625 : i32
    "tpu.region"() ({
      %run_scoped3A = tpu.sem_alloc : memref<!tpu.dma_semaphore, #tpu.memory_space<semaphore_mem>>
      %dma_start3A = tpu.memref_slice %arg5[%mul3A_2] : memref<320000xi32, #tpu.memory_space<hbm>> -> memref<10000xi32, #tpu.memory_space<hbm>>
      %dma_start3A_8 = tpu.memref_slice %arg5[%mul3A_2] : memref<320000xi32, #tpu.memory_space<hbm>> -> memref<10000xi32, #tpu.memory_space<hbm>>
      tpu.enqueue_dma source(%arg10 : memref<10000xi32, #tpu.memory_space<vmem>>) target(%dma_start3A_8 : memref<10000xi32, #tpu.memory_space<hbm>>) target_semaphore(%run_scoped3A : memref<!tpu.dma_semaphore, #tpu.memory_space<semaphore_mem>>)
      %dma_wait3A = tpu.memref_slice %arg5[%mul3A_2] : memref<320000xi32, #tpu.memory_space<hbm>> -> memref<10000xi32, #tpu.memory_space<hbm>>
      %dma_wait3A_9 = tpu.memref_slice %arg5[%mul3A_2] : memref<320000xi32, #tpu.memory_space<hbm>> -> memref<10000xi32, #tpu.memory_space<hbm>>
      tpu.wait_dma2 semaphore(%run_scoped3A : memref<!tpu.dma_semaphore, #tpu.memory_space<semaphore_mem>>) src(%arg10 : memref<10000xi32, #tpu.memory_space<vmem>>) dst(%dma_wait3A_9 : memref<10000xi32, #tpu.memory_space<hbm>>)
      tpu.yield
    }) : () -> ()
    "tpu.region"() ({
      %run_scoped3A = tpu.sem_alloc : memref<!tpu.dma_semaphore, #tpu.memory_space<semaphore_mem>>
      %dma_start3A = tpu.memref_slice %arg6[%mul3A_2] : memref<320000xi32, #tpu.memory_space<hbm>> -> memref<10000xi32, #tpu.memory_space<hbm>>
      %dma_start3A_8 = tpu.memref_slice %arg6[%mul3A_2] : memref<320000xi32, #tpu.memory_space<hbm>> -> memref<10000xi32, #tpu.memory_space<hbm>>
      tpu.enqueue_dma source(%arg11 : memref<10000xi32, #tpu.memory_space<vmem>>) target(%dma_start3A_8 : memref<10000xi32, #tpu.memory_space<hbm>>) target_semaphore(%run_scoped3A : memref<!tpu.dma_semaphore, #tpu.memory_space<semaphore_mem>>)
      %dma_wait3A = tpu.memref_slice %arg6[%mul3A_2] : memref<320000xi32, #tpu.memory_space<hbm>> -> memref<10000xi32, #tpu.memory_space<hbm>>
      %dma_wait3A_9 = tpu.memref_slice %arg6[%mul3A_2] : memref<320000xi32, #tpu.memory_space<hbm>> -> memref<10000xi32, #tpu.memory_space<hbm>>
      tpu.wait_dma2 semaphore(%run_scoped3A : memref<!tpu.dma_semaphore, #tpu.memory_space<semaphore_mem>>) src(%arg11 : memref<10000xi32, #tpu.memory_space<vmem>>) dst(%dma_wait3A_9 : memref<10000xi32, #tpu.memory_space<hbm>>)
      tpu.yield
    }) : () -> ()
    return
  }
}

module attributes {stable_mosaic.version = 14 : i64} {
  func.func @_tc_body(%arg0: i32, %arg1: memref<1x1x512xi32, #tpu.memory_space<vmem>>, %arg2: memref<1x1x512xi32, #tpu.memory_space<vmem>>, %arg3: memref<512x16xf32, #tpu.memory_space<vmem>>, %arg4: memref<128x128xf32, #tpu.memory_space<vmem>>, %arg5: memref<384x128xf32, #tpu.memory_space<vmem>>, %arg6: memref<16x128xf32, #tpu.memory_space<vmem>>, %arg7: memref<1x128xf32, #tpu.memory_space<vmem>>, %arg8: memref<512x128xf32, #tpu.memory_space<vmem>>, %arg9: memref<128x256xbf16, #tpu.memory_space<vmem>>, %arg10: memref<128x256xbf16, #tpu.memory_space<vmem>>, %arg11: memref<16x128xf32, #tpu.memory_space<vmem>>) attributes {dimension_semantics = [#tpu.dimension_semantics<arbitrary>], iteration_bounds = array<i64: 625>, scalar_prefetch = 0 : i64, scratch_operands = 3 : i64, tpu.core_type = #tpu.core_type<tc>, window_params = [{transform_indices = @transform_0, window_bounds = array<i64: 1, 1, 512>}, {transform_indices = @transform_1, window_bounds = array<i64: 1, 1, 512>}, {transform_indices = @transform_2, window_bounds = array<i64: 512, 16>}, {pipeline_mode = #tpu.pipeline_mode<synchronous>, transform_indices = @transform_3, window_bounds = array<i64: 128, 128>}, {pipeline_mode = #tpu.pipeline_mode<synchronous>, transform_indices = @transform_4, window_bounds = array<i64: 384, 128>}, {pipeline_mode = #tpu.pipeline_mode<synchronous>, transform_indices = @transform_5, window_bounds = array<i64: 16, 128>}, {pipeline_mode = #tpu.pipeline_mode<synchronous>, transform_indices = @transform_6, window_bounds = array<i64: 1, 128>}, {transform_indices = @transform_7, window_bounds = array<i64: 512, 128>}]} {
    %eq3A = arith.constant 0 : i32
    %eq3A_0 = arith.cmpi eq, %arg0, %eq3A : i32
    %convert_element_type3A = arith.extui %eq3A_0 : i1 to i32
    %cond3A = arith.constant 0 : i32
    %cond3A_1 = arith.cmpi ne, %convert_element_type3A, %cond3A : i32
    scf.if %cond3A_1 {
      %get3A_54 = arith.constant 0 : index
      %get3A_55 = arith.constant 0 : index
      %get3A_56 = vector.load %arg4[%get3A_54, %get3A_55] : memref<128x128xf32, #tpu.memory_space<vmem>>, vector<128x128xf32>
      %get3A_57 = arith.constant 0 : index
      %get3A_58 = arith.constant 0 : index
      %get3A_59 = vector.load %arg5[%get3A_57, %get3A_58] : memref<384x128xf32, #tpu.memory_space<vmem>>, vector<128x128xf32>
      %dot_general3A_60 = arith.constant dense<0.000000e+00> : vector<128x128xf32>
      %dot_general3A_61 = tpu.matmul %get3A_56, %get3A_59, %dot_general3A_60 {dimension_numbers = #tpu.dot_dimension_numbers<[1], [0], [0], [1], [0, 0, 1, 1], [], []>, transpose_lhs_hint = false} : vector<128x128xf32>, vector<128x128xf32>, vector<128x128xf32> -> vector<128x128xf32>
      %transpose3A_62 = tpu.transpose %dot_general3A_61, [1, 0] : vector<128x128xf32> -> vector<128x128xf32>
      %get3A_63 = arith.constant 0 : index
      %get3A_64 = arith.constant 0 : index
      %get3A_65 = vector.load %arg4[%get3A_63, %get3A_64] : memref<128x128xf32, #tpu.memory_space<vmem>>, vector<128x128xf32>
      %get3A_66 = arith.constant 128 : index
      %get3A_67 = arith.constant 0 : index
      %get3A_68 = vector.load %arg5[%get3A_66, %get3A_67] : memref<384x128xf32, #tpu.memory_space<vmem>>, vector<128x128xf32>
      %dot_general3A_69 = arith.constant dense<0.000000e+00> : vector<128x128xf32>
      %dot_general3A_70 = tpu.matmul %get3A_65, %get3A_68, %dot_general3A_69 {dimension_numbers = #tpu.dot_dimension_numbers<[1], [0], [0], [1], [0, 0, 1, 1], [], []>, transpose_lhs_hint = false} : vector<128x128xf32>, vector<128x128xf32>, vector<128x128xf32> -> vector<128x128xf32>
      %transpose3A_71 = tpu.transpose %dot_general3A_70, [1, 0] : vector<128x128xf32> -> vector<128x128xf32>
      %convert_element_type3A_72 = arith.truncf %transpose3A_62 : vector<128x128xf32> to vector<128x128xbf16>
      %convert_element_type3A_73 = arith.truncf %transpose3A_71 : vector<128x128xf32> to vector<128x128xbf16>
      %swap3A_74 = arith.constant 0 : index
      %swap3A_75 = arith.constant 0 : index
      %swap3A_76 = vector.load %arg9[%swap3A_74, %swap3A_75] : memref<128x256xbf16, #tpu.memory_space<vmem>>, vector<128x128xbf16>
      tpu.vector_store %arg9[%swap3A_74, %swap3A_75], %convert_element_type3A_72 {strides = array<i32>} : memref<128x256xbf16, #tpu.memory_space<vmem>>, vector<128x128xbf16>,
      %swap3A_77 = arith.constant 0 : index
      %swap3A_78 = arith.constant 128 : index
      %swap3A_79 = vector.load %arg9[%swap3A_77, %swap3A_78] : memref<128x256xbf16, #tpu.memory_space<vmem>>, vector<128x128xbf16>
      tpu.vector_store %arg9[%swap3A_77, %swap3A_78], %convert_element_type3A_73 {strides = array<i32>} : memref<128x256xbf16, #tpu.memory_space<vmem>>, vector<128x128xbf16>,
      %convert_element_type3A_80 = arith.extf %convert_element_type3A_72 : vector<128x128xbf16> to vector<128x128xf32>
      %sub3A = arith.subf %transpose3A_62, %convert_element_type3A_80 : vector<128x128xf32>
      %convert_element_type3A_81 = arith.truncf %sub3A : vector<128x128xf32> to vector<128x128xbf16>
      %swap3A_82 = arith.constant 0 : index
      %swap3A_83 = arith.constant 0 : index
      %swap3A_84 = vector.load %arg10[%swap3A_82, %swap3A_83] : memref<128x256xbf16, #tpu.memory_space<vmem>>, vector<128x128xbf16>
      tpu.vector_store %arg10[%swap3A_82, %swap3A_83], %convert_element_type3A_81 {strides = array<i32>} : memref<128x256xbf16, #tpu.memory_space<vmem>>, vector<128x128xbf16>,
      %convert_element_type3A_85 = arith.extf %convert_element_type3A_73 : vector<128x128xbf16> to vector<128x128xf32>
      %sub3A_86 = arith.subf %transpose3A_71, %convert_element_type3A_85 : vector<128x128xf32>
      %convert_element_type3A_87 = arith.truncf %sub3A_86 : vector<128x128xf32> to vector<128x128xbf16>
      %swap3A_88 = arith.constant 0 : index
      %swap3A_89 = arith.constant 128 : index
      %swap3A_90 = vector.load %arg10[%swap3A_88, %swap3A_89] : memref<128x256xbf16, #tpu.memory_space<vmem>>, vector<128x128xbf16>
      tpu.vector_store %arg10[%swap3A_88, %swap3A_89], %convert_element_type3A_87 {strides = array<i32>} : memref<128x256xbf16, #tpu.memory_space<vmem>>, vector<128x128xbf16>,
      %get3A_91 = arith.constant 0 : index
      %get3A_92 = arith.constant 0 : index
      %get3A_93 = vector.load %arg6[%get3A_91, %get3A_92] : memref<16x128xf32, #tpu.memory_space<vmem>>, vector<16x128xf32>
      %get3A_94 = arith.constant 256 : index
      %get3A_95 = arith.constant 0 : index
      %get3A_96 = vector.load %arg5[%get3A_94, %get3A_95] : memref<384x128xf32, #tpu.memory_space<vmem>>, vector<128x128xf32>
      %dot_general3A_97 = arith.constant dense<0.000000e+00> : vector<16x128xf32>
      %dot_general3A_98 = tpu.matmul %get3A_93, %get3A_96, %dot_general3A_97 {dimension_numbers = #tpu.dot_dimension_numbers<[1], [0], [0], [1], [0, 0, 1, 1], [], []>, transpose_lhs_hint = false} : vector<16x128xf32>, vector<128x128xf32>, vector<16x128xf32> -> vector<16x128xf32>
      %swap3A_99 = arith.constant 0 : index
      %swap3A_100 = arith.constant 0 : index
      %swap3A_101 = vector.load %arg11[%swap3A_99, %swap3A_100] : memref<16x128xf32, #tpu.memory_space<vmem>>, vector<16x128xf32>
      tpu.vector_store %arg11[%swap3A_99, %swap3A_100], %dot_general3A_98 {strides = array<i32>} : memref<16x128xf32, #tpu.memory_space<vmem>>, vector<16x128xf32>,
    } else {
    }
    %get3A = arith.constant 0 : index
    %get3A_2 = arith.constant 0 : index
    %get3A_3 = arith.constant 0 : index
    %get3A_4 = vector.load %arg1[%get3A, %get3A_2, %get3A_3] : memref<1x1x512xi32, #tpu.memory_space<vmem>>, vector<1x1x512xi32>
    %reshape3A = vector.shape_cast %get3A_4 : vector<1x1x512xi32> to vector<1x512xi32>
    %convert_element_type3A_5 = arith.sitofp %reshape3A : vector<1x512xi32> to vector<1x512xbf16>
    %get3A_6 = arith.constant 0 : index
    %get3A_7 = arith.constant 0 : index
    %get3A_8 = arith.constant 0 : index
    %get3A_9 = vector.load %arg2[%get3A_6, %get3A_7, %get3A_8] : memref<1x1x512xi32, #tpu.memory_space<vmem>>, vector<1x1x512xi32>
    %reshape3A_10 = vector.shape_cast %get3A_9 : vector<1x1x512xi32> to vector<1x512xi32>
    %convert_element_type3A_11 = arith.sitofp %reshape3A_10 : vector<1x512xi32> to vector<1x512xbf16>
    %iota3A = tpu.iota {dimensions = array<i32: 0>} : vector<128x1xi32>
    %convert_element_type3A_12 = arith.sitofp %iota3A : vector<128x1xi32> to vector<128x1xbf16>
    %eq3A_13 = vector.broadcast %convert_element_type3A_12 : vector<128x1xbf16> to vector<128x512xbf16>
    %eq3A_14 = vector.broadcast %convert_element_type3A_5 : vector<1x512xbf16> to vector<128x512xbf16>
    %eq3A_15 = arith.cmpf oeq, %eq3A_13, %eq3A_14 : vector<128x512xbf16>
    %eq3A_16 = vector.broadcast %convert_element_type3A_12 : vector<128x1xbf16> to vector<128x512xbf16>
    %eq3A_17 = vector.broadcast %convert_element_type3A_11 : vector<1x512xbf16> to vector<128x512xbf16>
    %eq3A_18 = arith.cmpf oeq, %eq3A_16, %eq3A_17 : vector<128x512xbf16>
    %concatenate3A = tpu.concatenate %eq3A_15, %eq3A_18 in 0 : vector<128x512xi1>, vector<128x512xi1> -> vector<256x512xi1>
    %convert_element_type3A_19 = arith.extui %concatenate3A : vector<256x512xi1> to vector<256x512xi32>
    %convert_element_type3A_20 = arith.sitofp %convert_element_type3A_19 : vector<256x512xi32> to vector<256x512xf32>
    %convert_element_type3A_21 = arith.truncf %convert_element_type3A_20 : vector<256x512xf32> to vector<256x512xbf16>
    %get3A_22 = arith.constant 0 : index
    %get3A_23 = arith.constant 0 : index
    %get3A_24 = vector.load %arg9[%get3A_22, %get3A_23] : memref<128x256xbf16, #tpu.memory_space<vmem>>, vector<128x256xbf16>
    %dot_general3A = arith.constant dense<0.000000e+00> : vector<128x512xf32>
    %dot_general3A_25 = tpu.matmul %get3A_24, %convert_element_type3A_21, %dot_general3A {dimension_numbers = #tpu.dot_dimension_numbers<[1], [0], [0], [1], [0, 0, 1, 1], [], []>, transpose_lhs_hint = false} : vector<128x256xbf16>, vector<256x512xbf16>, vector<128x512xf32> -> vector<128x512xf32>
    %get3A_26 = arith.constant 0 : index
    %get3A_27 = arith.constant 0 : index
    %get3A_28 = vector.load %arg10[%get3A_26, %get3A_27] : memref<128x256xbf16, #tpu.memory_space<vmem>>, vector<128x256xbf16>
    %dot_general3A_29 = arith.constant dense<0.000000e+00> : vector<128x512xf32>
    %dot_general3A_30 = tpu.matmul %get3A_28, %convert_element_type3A_21, %dot_general3A_29 {dimension_numbers = #tpu.dot_dimension_numbers<[1], [0], [0], [1], [0, 0, 1, 1], [], []>, transpose_lhs_hint = false} : vector<128x256xbf16>, vector<256x512xbf16>, vector<128x512xf32> -> vector<128x512xf32>
    %add3A = arith.addf %dot_general3A_25, %dot_general3A_30 : vector<128x512xf32>
    %transpose3A = tpu.transpose %add3A, [1, 0] : vector<128x512xf32> -> vector<512x128xf32>
    %get3A_31 = arith.constant 0 : index
    %get3A_32 = arith.constant 0 : index
    %get3A_33 = vector.load %arg3[%get3A_31, %get3A_32] : memref<512x16xf32, #tpu.memory_space<vmem>>, vector<512x16xf32>
    %get3A_34 = arith.constant 0 : index
    %get3A_35 = arith.constant 0 : index
    %get3A_36 = vector.load %arg11[%get3A_34, %get3A_35] : memref<16x128xf32, #tpu.memory_space<vmem>>, vector<16x128xf32>
    %dot_general3A_37 = arith.constant dense<0.000000e+00> : vector<512x128xf32>
    %dot_general3A_38 = tpu.matmul %get3A_33, %get3A_36, %dot_general3A_37 {dimension_numbers = #tpu.dot_dimension_numbers<[1], [0], [0], [1], [0, 0, 1, 1], [], []>, transpose_lhs_hint = false} : vector<512x16xf32>, vector<16x128xf32>, vector<512x128xf32> -> vector<512x128xf32>
    %add3A_39 = arith.addf %transpose3A, %dot_general3A_38 : vector<512x128xf32>
    %get3A_40 = arith.constant 0 : index
    %get3A_41 = arith.constant 0 : index
    %get3A_42 = vector.load %arg7[%get3A_40, %get3A_41] : memref<1x128xf32, #tpu.memory_space<vmem>>, vector<1x128xf32>
    %add3A_43 = vector.broadcast %get3A_42 : vector<1x128xf32> to vector<512x128xf32>
    %add3A_44 = arith.addf %add3A_39, %add3A_43 : vector<512x128xf32>
    %neg3A = arith.constant 0.000000e+00 : f32
    %neg3A_45 = vector.broadcast %neg3A : f32 to vector<512x128xf32>
    %neg3A_46 = arith.subf %neg3A_45, %add3A_44 : vector<512x128xf32>
    %exp3A = math.exp %neg3A_46 : vector<512x128xf32>
    %add3A_47 = arith.constant 1.000000e+00 : f32
    %add3A_48 = vector.broadcast %add3A_47 : f32 to vector<512x128xf32>
    %add3A_49 = arith.addf %add3A_48, %exp3A : vector<512x128xf32>
    %div3A = arith.constant 1.000000e+00 : f32
    %div3A_50 = vector.broadcast %div3A : f32 to vector<512x128xf32>
    %div3A_51 = arith.divf %div3A_50, %add3A_49 : vector<512x128xf32>
    %mul3A = arith.mulf %add3A_44, %div3A_51 : vector<512x128xf32>
    %swap3A = arith.constant 0 : index
    %swap3A_52 = arith.constant 0 : index
    %swap3A_53 = vector.load %arg8[%swap3A, %swap3A_52] : memref<512x128xf32, #tpu.memory_space<vmem>>, vector<512x128xf32>
    tpu.vector_store %arg8[%swap3A, %swap3A_52], %mul3A {strides = array<i32>} : memref<512x128xf32, #tpu.memory_space<vmem>>, vector<512x128xf32>,
    return
  }
  func.func @transform_0(%arg0: i32) -> (i32, i32, i32) {
    %c0_i32 = arith.constant 0 : i32
    %c0_i32_0 = arith.constant 0 : i32
    %c0_i32_1 = arith.constant 0 : i32
    return %arg0, %c0_i32, %c0_i32_0 : i32, i32, i32
  }
  func.func @transform_1(%arg0: i32) -> (i32, i32, i32) {
    %c0_i32 = arith.constant 0 : i32
    %c0_i32_0 = arith.constant 0 : i32
    %c0_i32_1 = arith.constant 0 : i32
    return %arg0, %c0_i32, %c0_i32_0 : i32, i32, i32
  }
  func.func @transform_2(%arg0: i32) -> (i32, i32) {
    %c0_i32 = arith.constant 0 : i32
    %c0_i32_0 = arith.constant 0 : i32
    return %arg0, %c0_i32 : i32, i32
  }
  func.func @transform_3(%arg0: i32) -> (i32, i32) {
    %c0_i32 = arith.constant 0 : i32
    %c0_i32_0 = arith.constant 0 : i32
    %c0_i32_1 = arith.constant 0 : i32
    return %c0_i32, %c0_i32_0 : i32, i32
  }
  func.func @transform_4(%arg0: i32) -> (i32, i32) {
    %c0_i32 = arith.constant 0 : i32
    %c0_i32_0 = arith.constant 0 : i32
    %c0_i32_1 = arith.constant 0 : i32
    return %c0_i32, %c0_i32_0 : i32, i32
  }
  func.func @transform_5(%arg0: i32) -> (i32, i32) {
    %c0_i32 = arith.constant 0 : i32
    %c0_i32_0 = arith.constant 0 : i32
    %c0_i32_1 = arith.constant 0 : i32
    return %c0_i32, %c0_i32_0 : i32, i32
  }
  func.func @transform_6(%arg0: i32) -> (i32, i32) {
    %c0_i32 = arith.constant 0 : i32
    %c0_i32_0 = arith.constant 0 : i32
    %c0_i32_1 = arith.constant 0 : i32
    return %c0_i32, %c0_i32_0 : i32, i32
  }
  func.func @transform_7(%arg0: i32) -> (i32, i32) {
    %c0_i32 = arith.constant 0 : i32
    %c0_i32_0 = arith.constant 0 : i32
    return %arg0, %c0_i32 : i32, i32
  }
}

</mosaic_0001>

<sc_bundles>
// kernel: kernel.4.cloned.1.call-start
scs
__scs_entry_jumppad:
0x0: {  	(pc) =	sbr.rel $0x88, $3  }
0x1: {  	(tag) =	ssettag $0x0;
	lr =	simm.s32 $0x1  }
0x2: {  	[smem:$0x3F99] =	sst lr;
	_ =	strace $0xD0000000  }
0x3: {  	_ = 	snop  }
0x4: {  	_ = 	snop  }
0x5: {  	_ = 	snop  }
0x6: {  	_ = 	snop  }
0x7: {  	_ = 	snop  }
__scs_overlays_trampoline_lowered:
0x8: {  	[smem:$0x3FA8] =	sst s0  }
0x9: {  	[smem:$0x3FA9] =	sst s1  }
0xa: {  	[smem:$0x3FAA] =	sst s2  }
0xb: {  	[smem:$0x3FAB] =	sst s3  }
0xc: {  	[smem:$0x3FAC] =	sst s4  }
0xd: {  	[smem:$0x3FAD] =	sst s5  }
0xe: {  	[smem:$0x3FAE] =	sst s6  }
0xf: {  	[smem:$0x3FAF] =	sst s7  }
0x10: {  	[smem:$0x3FB0] =	sst s8  }
0x11: {  	[smem:$0x3FB1] =	sst s9;
	s0 =	simm.s32 @!p0 $0x0  }
0x12: {  	s1 =	sld [smem:$0x3F97];
	s0 =	simm.s32 @p0 $0x1  }
0x13: {  	[smem:$0x3FB2] =	sst s0;
	s0 =	simm.s32 @!p1 $0x0  }
0x14: {  	s2 =	sld [smem:$0x3F96];
	s0 =	simm.s32 @p1 $0x1  }
0x15: {  	[smem:$0x3FB3] =	sst s0;
	s0 =	simm.s32 @!p2 $0x0  }
0x16: {  	s3 =	sld [smem:$0x3FDB];
	s0 =	simm.s32 @p2 $0x1  }
0x17: {  	s4 =	simm.s32 $0x1BF5;
	[smem:$0x3FB5] =	sst s0  }
0x18: {  	s0 =	sld [smem:$0x3F98];
	_ =	swait.ge [sflag:s4], $0x0  }
0x19: {  	s7 =	sld [smem:$0x3F99]  }
0x1a: {  	s8 =	sadd.s32 $0xFFFFE003, lr  }
0x1b: {  	s9 =	sadd.s32 $0xFFFFFEF7, lr;
	s5 =	simm.s32 $0xFFFFFFFF;
	p2 =	slt.u32 s8, $0xFFFFF086  }
0x1c: {  	p1 =	slt.u32 s9, $0xF7A;
	s5 =	simm.s32 @!p2 $0x0  }
0x1d: {  	s5 =	simm.s32 @p1 $0x1;
	p0 =	seq.s32 s7, s2  }
0x1e: {  	s7 =	smul.u32 @!p0 $0xF7A, s2;
	p2 =	seq.s32 @!p0 s5, $0x0  }
0x1f: {  	s9 =	smul.u32 $0xF7A, s1;
	s8 =	simm.s32 @!p0 $0x1BF5;
	p2 =	por !p2, p0  }
0x20: {  	[sflag:s8] =	ssyncset.s32 @!p0 $0xFFFFF086;
	s6 =	sadd.s32 @!p0 s3, s7;
	s7 =	simm.s32 @!p0 $0x108  }
0x21: {  	s3 =	sadd.s32 s3, s9;
	s6 =	sadd.s32 @!p0 $0x88, s6;
	s7 =	simm.s32 @p2 $0x1082  }
0x22: {  	[simem:s7], [sflag:s8] =	dma.local @!p0 [hbm:s6], $0xF7A  }
0x23: {  	s9 =	sor.u32 $0xD0000000, s2;
	s6 =	simm.s32 $0x108;
	_ =	swait.ge @!p0 [sflag:s8], $0x0  }
0x24: {  	s3 =	sadd.s32 $0x88, s3;
	s6 =	simm.s32 @!p1 $0x1082;
	[sflag:s4] =	ssyncset.s32 $0xFFFFF086  }
0x25: {  	[simem:s6], [sflag:s4] =	dma.local [hbm:s3], $0xF7A  }
0x26: {  	[smem:$0x3F99] =	sst s1;
	(tag) =	ssettag s2;
	_ =	strace s9  }
0x27: {  	s1 =	sld [smem:$0x3FA9]  }
0x28: {  	s2 =	sld [smem:$0x3FAA]  }
0x29: {  	s4 =	sld [smem:$0x3FAC]  }
0x2a: {  	p0 =	seq.s32 s5, $0x0;
	s5 =	sld [smem:$0x3FAD]  }
0x2b: {  	s6 =	sld [smem:$0x3FAE]  }
0x2c: {  	s7 =	sld [smem:$0x3FAF]  }
0x2d: {  	s3 =	simm.s32 $0x108;
	s8 =	sld [smem:$0x3FB0]  }
0x2e: {  	s3 =	simm.s32 @!p0 $0x1082;
	s9 =	sld [smem:$0x3FB1]  }
0x2f: {  	lr =	sadd.s32 s0, s3;
	s0 =	sld [smem:$0x3FA8]  }
0x30: {  	s3 =	sld [smem:$0x3FAB]  }
0x31: {  	[smem:$0x3FB4] =	sst s10  }
0x32: {  	s10 =	sld [smem:$0x3FB2];
	_ =	sdelay $0x3  }
0x33: {  	p0 =	seq.s32 s10, $0x1;
	s10 =	sld [smem:$0x3FB4];
	_ =	sdelay $0x3  }
0x34: {  	[smem:$0x3FB4] =	sst s10  }
0x35: {  	s10 =	sld [smem:$0x3FB3];
	_ =	sdelay $0x3  }
0x36: {  	p1 =	seq.s32 s10, $0x1;
	s10 =	sld [smem:$0x3FB4];
	_ =	sdelay $0x3  }
0x37: {  	[smem:$0x3FB4] =	sst s10  }
0x38: {  	s10 =	sld [smem:$0x3FB5]  }
0x39: {  	_ = 	snop;
	(pc) =	sbr.ind lr, $3  }
0x3a: {  	_ = 	snop  }
0x3b: {  	_ = 	snop  }
0x3c: {  	p2 =	seq.s32 s10, $0x1;
	s10 =	sld [smem:$0x3FB4]  }
0x3d: {  	_ =	shalt  }
0x3e: {  	_ =	shalt  }
0x3f: {  	_ =	shalt  }
0x40: {  	_ =	shalt  }
0x41: {  	_ =	shalt  }
0x42: {  	_ =	shalt  }
0x43: {  	_ =	shalt  }
0x44: {  	_ =	shalt  }
0x45: {  	_ =	shalt  }
0x46: {  	_ =	shalt  }
0x47: {  	_ =	shalt  }
0x48: {  	_ =	shalt  }
0x49: {  	_ =	shalt  }
0x4a: {  	_ =	shalt  }
0x4b: {  	_ =	shalt  }
0x4c: {  	_ =	shalt  }
0x4d: {  	_ =	shalt  }
0x4e: {  	_ =	shalt  }
0x4f: {  	_ =	shalt  }
0x50: {  	_ =	shalt  }
0x51: {  	_ =	shalt  }
0x52: {  	_ =	shalt  }
0x53: {  	_ =	shalt  }
0x54: {  	_ =	shalt  }
0x55: {  	_ =	shalt  }
0x56: {  	_ =	shalt  }
0x57: {  	_ =	shalt  }
0x58: {  	_ =	shalt  }
0x59: {  	_ =	shalt  }
0x5a: {  	_ =	shalt  }
0x5b: {  	_ =	shalt  }
0x5c: {  	_ =	shalt  }
0x5d: {  	_ =	shalt  }
0x5e: {  	_ =	shalt  }
0x5f: {  	_ =	shalt  }
0x60: {  	_ =	shalt  }
0x61: {  	_ =	shalt  }
0x62: {  	_ =	shalt  }
0x63: {  	_ =	shalt  }
0x64: {  	_ =	shalt  }
0x65: {  	_ =	shalt  }
0x66: {  	_ =	shalt  }
0x67: {  	_ =	shalt  }
0x68: {  	_ =	shalt  }
0x69: {  	_ =	shalt  }
0x6a: {  	_ =	shalt  }
0x6b: {  	_ =	shalt  }
0x6c: {  	_ =	shalt  }
0x6d: {  	_ =	shalt  }
0x6e: {  	_ =	shalt  }
0x6f: {  	_ =	shalt  }
0x70: {  	_ =	shalt  }
0x71: {  	_ =	shalt  }
0x72: {  	_ =	shalt  }
0x73: {  	_ =	shalt  }
0x74: {  	_ =	shalt  }
0x75: {  	_ =	shalt  }
0x76: {  	_ =	shalt  }
0x77: {  	_ =	shalt  }
0x78: {  	_ =	shalt  }
0x79: {  	_ =	shalt  }
0x7a: {  	_ =	shalt  }
0x7b: {  	_ =	shalt  }
0x7c: {  	_ =	shalt  }
0x7d: {  	_ =	shalt  }
0x7e: {  	_ =	shalt  }
0x7f: {  	_ =	shalt  }
0x80: {  	_ =	shalt  }
0x81: {  	_ =	shalt  }
0x82: {  	_ =	shalt  }
0x83: {  	_ =	shalt  }
0x84: {  	_ =	shalt  }
0x85: {  	_ =	shalt  }
0x86: {  	_ =	shalt  }
0x87: {  	_ =	shalt  }
.Lfunc_end0:
.L_simem_size_0:
called_computation_lowered:
.L_overlay_start_0:
0x88: {  	s2 =	sld [smem:$0x3FD9]  }
0x89: {  	s3 =	sld [smem:$0x3FFE];
	_ =	sdelay $0x1  }
0x8a: {  	s1 =	srdreg.scid  }
0x8b: {  	s0 =	sand.u32 $0x1, s1  }
0x8c: {  	s17 =	sshll.u32 s0, $0xA;
	s2 =	sadd.s32 s3, s2  }
0x8d: {  	s2 =	sadd.s32 s2, s17  }
0x8e: {  	[smem:$0x3FC0] =	sst s2  }
0x8f: {  	_ = 	snop  }
0x90: {  	s2 =	sld [smem:$0x3FC9]  }
0x91: {  	s18 =	sld [smem:$0x3FC7]  }
0x92: {  	s4 =	sld [smem:$0x3FC6]  }
0x93: {  	s5 =	sld [smem:$0x3FD0];
	(tm) =	ssettm $0x1  }
0x94: {  	s6 =	sld [smem:$0x3FFB];
	_ =	sdelay $0x3  }
0x95: {  	_ =	strace s6  }
0x96: {  	s6 =	sld [smem:$0x3FFC];
	_ =	sdelay $0x3  }
0x97: {  	_ =	strace s6  }
0x98: {  	s6 =	sld [smem:$0x3FFD];
	_ =	sdelay $0x3  }
0x99: {  	_ =	strace s6  }
0x9a: {  	_ =	strace $0x8FFFFFFF  }
0x9b: {  	s19 =	sld [smem:$0x3FDB];
	_ =	sdelay $0x1  }
0x9c: {  	s7 =	simm.s32 $_scs_section_size  }
0x9d: {  	s8 =	simm.s32 $_size__tile_overlayer_lowered;
	s9 =	simm.s32 $_tile_overlayer_lowered  }
0x9e: {  	s22 =	simm.s32 $0x1BFF;
	s21 =	sshll.u32 s9, $0x1;
	s6 =	sadd.s32 s7, s19  }
0x9f: {  	s10 =	simm.s32 $0x0;
	s20 =	sshll.u32 s8, $0x1;
	s8 =	sadd.s32 s21, s6  }
0xa0: {  	[timem:s10], [sflag:s22] =	dma.local [hbm:s8], s20  }
0xa1: {  	_ =	swait.ge [sflag:s22], s20  }
0xa2: {  	s7 =	ssub.s32 $0x0, s20;
	[sflag:s22] =	ssyncset.done $0x0  }
0xa3: {  	[sflag:s22] =	ssyncadd.s32 s7;
	_ =	sdelay $0x1  }
0xa4: {  	s23 =	simm.s32 $0x1B8B  }
0xa5: {  	_ =	swait.ge [sflag:s23], $0x1  }
0xa6: {  	[sflag:s23] =	ssyncset.done $0x0  }
0xa7: {  	s25 =	simm.s32 $0x1B8E;
	s24 =	sld [smem:$0x3FFE];
	[sflag:s23] =	ssyncadd.s32 $0xFFFFFFFF  }
0xa8: {  	s26 =	simm.s32 $execute0_lowered;
	[smem:$0x3FD2] =	sst s25  }
0xa9: {  	s8 =	sshll.u32 s26, $0x1;
	_ =	strace $0x80000046;
	[dreg:$0x1] =	wrdreg $0xFFFFFFFF  }
0xaa: {  	s28 =	simm.s32 $_size_execute0_lowered;
	s6 =	sadd.s32 s6, s8;
	[dreg:$0x0] =	wrdreg $0x0  }
0xab: {  	s8 =	sshll.u32 s28, $0x1;
	[dreg:$0x2] =	wrdreg s6  }
0xac: {  	[dreg:$0x3] =	wrdreg s8  }
0xad: {  	[dreg:$0x4] =	wrdreg $0xC0  }
0xae: {  	_ =	task [dreg:s10], $0x5FFFF  }
0xaf: {  	[dreg:$0x1] =	wrdreg $0xFFFFFFFF  }
0xb0: {  	[dreg:$0x0] =	wrdreg $0x60  }
0xb1: {  	[dreg:$0x2] =	wrdreg s2  }
0xb2: {  	[dreg:$0x3] =	wrdreg s4  }
0xb3: {  	[dreg:$0x4] =	wrdreg s18  }
0xb4: {  	[dreg:$0x5] =	wrdreg s5  }
0xb5: {  	[dreg:$0x6] =	wrdreg s24  }
0xb6: {  	[dreg:$0x7] =	wrdreg $0x9  }
0xb7: {  	_ =	task.clear_ibuf [dreg:s10], $0x8FFFF;
	_ =	strace $0x90000046  }
0xb8: {  	s29 =	simm.s32 $0x9;
	_ =	strace $0x80000048  }
0xb9: {  	_ =	swait.ge [sflag:s29], $0x1  }
0xba: {  	[sflag:s29] =	ssyncadd.s32 $0xFFFFFFFF  }
0xbb: {  	_ =	strace $0x90000048  }
0xbc: {  	_ =	sfence  }
0xbd: {  	s30 =	sld [smem:$0x0];
	_ =	sdelay $0x2  }
0xbe: {  	s31 =	sshll.u32 s1, $0xD;
	s1 =	sshrl.u32 s1, $0x2  }
0xbf: {  	s3 =	sand.u32 $0x4000, s31;
	s1 =	sadd.s32 s1, s30  }
0xc0: {  	s0 =	sor.u32 s3, s0;
	s1 =	sshll.u32 s1, $0x11  }
0xc1: {  	s0 =	sor.u32 s1, s0  }
0xc2: {  	s0 =	sadd.s32 $0x8F2B, s0  }
0xc3: {  	[sflag:s0] =	ssyncadd.remote.s32 $0x1  }
0xc4: {  	_ =	sfence.sel $0xFFFF  }
0xc5: {  	[dreg:$0x0] =	wrdreg $0xFFFFFFFF;
	(pc) =	sbr.abs _section_cstart, $3  }
0xc6: {  	[dreg:$0x1] =	wrdreg $0xFFFFFFFF  }
0xc7: {  	_ =	task.clear_ibuf [dreg:s10], $0x2FFFF;
	_ =	strace $0x9FFFFFFF  }
0xc8: {  	(tm) =	ssettm $0x7FFFFFFF  }
0xc9: {  	_ =	shalt  }
tec
execute0_lowered:
.L_overlay_start_1:
0x0: {  	(tag) =	ssettag $0x1  }
0x1: {  	s1 =	rddreg [dreg:$0x0]  }
0x2: {  	s4 =	rddreg [dreg:$0x1]  }
0x3: {  	s5 =	rddreg [dreg:$0x2];
	s2 =	srdreg.scid  }
0x4: {  	s0 =	stileid.u32;
	s6 =	rddreg [dreg:$0x3]  }
0x5: {  	s8 =	rddreg [dreg:$0x4];
	s3 =	simm.s32 $0x0;
	s11 =	simm.s32 $0x4F00  }
0x6: {  	s12 =	simm.s32 $0x7680;
	s7 =	sand.u32 $0x1, s2;
	s31 =	sshll.u32 s0, $0x1  }
0x7: {  	s13 =	simm.s32 $0x9E00;
	s14 =	simm.s32 $0x0;
	s9 =	sor.u32 s7, s31  }
0x8: {  	[smem:$0x7FF] =	sst s3;
	s7 =	ssub.s32 $0x2, s7;
	s9 =	smul.u32 $0x4E2, s9  }
0x9: {  	s2 =	rddreg [dreg:$0x5];
	_ =	strace $0x80000047;
	s10 =	sshrl.u32 s7, $0x1  }
0xa: {  	s10 =	ssub.s32 s7, s10;
	s8 =	sadd.s32 s9, s8;
	s4 =	sadd.s32 s4, s9  }
0xb: {  	s5 =	sadd.s32 s5, s9;
	s6 =	sadd.s32 s6, s9;
	s9 =	simm.s32 $0x1  }
0xc: {  	s7 =	sadd.s32 $0x1200, s8;
	s8 =	smax.u32 s10, $0x1;
	s10 =	simm.s32 $0x2780  }
.LBB2_1:
0xd: {  	[tilespmem:s3], [sflag:$0x1] =	stream.linear.gather [hbm4b:s1+s3], $0x2780, $0x38;
	[tilespmem:$0xC580] =	vst v63  }
0xe: {  	_ =	swait.ge [sflag:s9], $0x2780  }
0xf: {  	[sflag:s9] =	ssyncset.done $0x0  }
0x10: {  	[sflag:s9] =	ssyncadd.s32 $0xFFFFD880  }
0x11: {  	[tilespmem:s10], [sflag:$0x1] =	stream.linear.gather [hbm4b:s4+s3], $0x2710, $0x38;
	[tilespmem:$0xC580] =	vst v63  }
0x12: {  	_ =	swait.ge [sflag:s9], $0x2710  }
0x13: {  	[sflag:s9] =	ssyncset.done $0x0  }
0x14: {  	[sflag:s9] =	ssyncadd.s32 $0xFFFFD8F0  }
0x15: {  	[tilespmem:s11], [sflag:$0x1] =	stream.linear.gather [hbm4b:s5+s3], $0x2710, $0x38;
	[tilespmem:$0xC580] =	vst v63  }
0x16: {  	_ =	swait.ge [sflag:s9], $0x2710  }
0x17: {  	[sflag:s9] =	ssyncset.done $0x0  }
0x18: {  	s15 =	simm.s32 $0x0;
	[sflag:s9] =	ssyncadd.s32 $0xFFFFD8F0  }
0x19: {  	v1 =	vld [tilespmem:s15+$0x2780];
	_ =	sdelay $0x5  }
0x1a: {  	v0 =	vld [tilespmem:s15+$0x4F00];
	_ =	sdelay $0x1  }
0x1b: {  	v1 =	vld.idx.msk [tilespmem:v1+s3+$0x0], $0xffff;
	_ =	sdelay $0x3  }
0x1c: {  	s16 =	simm.s32 $0x10;
	s17 =	simm.s32 $0x80  }
.LBB2_2:
0x1d: {  	p0 =	sne.s32 s17, $0x9C00;
	v2 =	vld [tilespmem:s16+$0x2780];
	[tilespmem:s15+$0x7680] =	vst v1  }
0x1e: {  	v1 =	vld.idx.msk [tilespmem:v0+s3+$0x0], $0xffff;
	_ =	sdelay $0x5  }
0x1f: {  	v0 =	vld [tilespmem:s16+$0x4F00];
	[tilespmem:s15+$0x9E00] =	vst v1;
	s15 =	smov.u32 s16  }
0x20: {  	v1 =	vld.idx.msk [tilespmem:v2+s3+$0x0], $0xffff  }
.Ltmp0:
0x21: {  	(pc) =	sbr.rel @p0 .LBB2_2-.Ltmp0, $2  }
0x22: {  	_ =	sdelay $0x2  }
0x23: {  	s16 =	sshra.s32 s17, $0x2;
	s17 =	sadd.s32 $0x40, s17  }
0x24: {  	_ =	sdelay $0x1  }
0x25: {  	v2 =	vld [tilespmem:s16+$0x2780]  }
0x26: {  	[tilespmem:s15+$0x7680] =	vst v1  }
0x27: {  	v0 =	vld.idx.msk [tilespmem:v0+s3+$0x0], $0xffff;
	_ =	sdelay $0x3  }
0x28: {  	v1 =	vld [tilespmem:s16+$0x4F00]  }
0x29: {  	[tilespmem:s15+$0x9E00] =	vst v0  }
0x2a: {  	v0 =	vld.idx.msk [tilespmem:v2+s3+$0x0], $0xffff;
	_ =	sdelay $0x4  }
0x2b: {  	[tilespmem:s16+$0x7680] =	vst v0  }
0x2c: {  	v0 =	vld.idx.msk [tilespmem:v1+s3+$0x0], $0xffff;
	_ =	sdelay $0x4  }
0x2d: {  	[tilespmem:s16+$0x9E00] =	vst v0  }
0x2e: {  	[hbm4b:s6+s3] =	stream.linear.scatter [tilespmem:s12], [sflag:$0x1], $0x2710, $0x38;
	[tilespmem:$0xC580] =	vst v63  }
0x2f: {  	s14 =	sadd.s32 $0x1, s14;
	_ =	swait.ge [sflag:s9], $0x2710  }
0x30: {  	p0 =	sne.s32 s14, s8;
	[sflag:s9] =	ssyncset.done $0x0  }
.Ltmp1:
0x31: {  	[sflag:s9] =	ssyncadd.s32 $0xFFFFD8F0;
	(pc) =	sbr.rel @p0 .LBB2_1-.Ltmp1, $4  }
0x32: {  	[hbm4b:s7+s3] =	stream.linear.scatter [tilespmem:s13], [sflag:$0x1], $0x2710, $0x38;
	[tilespmem:$0xC580] =	vst v63  }
0x33: {  	_ =	swait.ge [sflag:s9], $0x2710  }
0x34: {  	[sflag:s9] =	ssyncset.done $0x0  }
0x35: {  	[sflag:s9] =	ssyncadd.s32 $0xFFFFD8F0  }
0x36: {  	_ =	sfence.sel $0x180000  }
0x37: {  	[bflag:$0x0] =	sbarrier.arrive $0xFFFF  }
0x38: {  	p0 =	sne.s32 s0, $0x0;
	_ =	strace $0x90000047  }
0x39: {  	s0 =	sadd.s32 @!p0 $0x100000, s2;
	[bflag:$0x2] =	sbarrier.arrive $0xFFFF  }
0x3a: {  	[sflag:s0] =	ssyncadd.tile.s32 @!p0 $0x1;
	_ =	shalt  }
.Lfunc_end2:
_tile_overlayer_lowered:
.L_overlay_start_2:
0x3b: {  	(tag) =	ssettag $0x2  }
0x3c: {  	s0 =	rddreg [dreg:$0x0];
	s2 =	stileid.u32  }
0x3d: {  	s1 =	rddreg [dreg:$0x1];
	p0 =	sne.s32 s2, $0x0  }
0x3e: {  	s3 =	rddreg [dreg:$0x2];
	[bflag:$0x3] =	sbarrier.arrive $0xFFFF;
	s2 =	simm.s32 @!p0 $0x1C01  }
0x3f: {  	[timem:s3], [sflag:s2] =	dma.local @!p0 [hbm:s0], s1  }
0x40: {  	s0 =	simm.s32 @!p0 $0x1  }
0x41: {  	_ =	swait.ge @!p0 [sflag:s0], s1  }
0x42: {  	s1 =	ssub.s32 @!p0 $0x0, s1;
	[sflag:s0] =	ssyncset.done @!p0 $0x0  }
0x43: {  	[sflag:s0] =	ssyncadd.s32 @!p0 s1  }
0x44: {  	[bflag:$0x3] =	sbarrier.arrive $0xFFFF  }
0x45: {  	_ =	shalt  }

</sc_bundles>
